<compile_context>
chip_gen: v7x
topology: tpu7x:2x2x1
jax: 0.10.2.dev20260603
libtpu: 0.0.44.dev20260713+nightly
codegen_flags: <defaults>
</compile_context>

<pallas_src>
import functools

import jax
import jax.numpy as jnp
from jax import lax
from jax.experimental import pallas as pl
from jax.experimental.pallas import tpu as pltpu
from jax.experimental.pallas import tpu_sc as plsc



def _sc_gather_rows(newT, tgtT, label):
    C, B = newT.shape
    info = plsc.get_sparse_core_info()
    NC = info.num_cores
    per_w = 8
    n_workers = B // per_w
    mesh = plsc.VectorSubcoreMesh(core_axis_name="c", subcore_axis_name="s")

    @functools.partial(
        pl.kernel,
        out_type=(
            jax.ShapeDtypeStruct((B, B), jnp.float32),
            jax.ShapeDtypeStruct((B, B), jnp.float32),
        ),
        mesh=mesh,
        scratch_types=[
            pltpu.VMEM((per_w,), jnp.int32),
            pltpu.VMEM((per_w, 128), jnp.float32),
            pltpu.VMEM((per_w, 128), jnp.float32),
            pltpu.SemaphoreType.DMA,
        ],
    )
    def gather_k(new_hbm, tgt_hbm, idx_hbm, gs_hbm, ts_hbm,
                 idx_v, gbuf, tbuf, sem):
        wid = lax.axis_index("s") * NC + lax.axis_index("c")

        @pl.when(wid < n_workers)
        def _():
            base = wid * per_w
            pltpu.sync_copy(idx_hbm.at[pl.ds(base, per_w)], idx_v)
            cg = pltpu.async_copy(new_hbm.at[idx_v], gbuf, sem)
            ct = pltpu.async_copy(tgt_hbm.at[idx_v], tbuf, sem)
            cg.wait()
            ct.wait()
            pltpu.sync_copy(gbuf, gs_hbm.at[pl.ds(base, per_w)])
            pltpu.sync_copy(tbuf, ts_hbm.at[pl.ds(base, per_w)])

    return gather_k(newT, tgtT, label)



def _make_sumexp(B, C, CH=10000):
    nchunks = C // CH

    def body(x_ref, s_ref, acc_ref):
        j = pl.program_id(0)
        part = jnp.sum(jnp.exp(x_ref[...]), axis=0, keepdims=True)

        @pl.when(j == 0)
        def _():
            acc_ref[...] = part

        @pl.when(j > 0)
        def _():
            acc_ref[...] += part

        @pl.when(j == nchunks - 1)
        def _():
            s_ref[...] = acc_ref[...]

    return pl.pallas_call(
        body,
        grid=(nchunks,),
        in_specs=[pl.BlockSpec((CH, B), lambda j: (j, 0))],
        out_specs=pl.BlockSpec((1, B), lambda j: (0, 0)),
        out_shape=jax.ShapeDtypeStruct((1, B), jnp.float32),
        scratch_shapes=[pltpu.VMEM((1, B), jnp.float32)],
        compiler_params=pltpu.CompilerParams(
            dimension_semantics=("arbitrary",),
        ),
    )



def _fix_body(s_ref, gg_ref, gt_ref, out_ref):
    s = s_ref[...]
    diag = (lax.broadcasted_iota(jnp.int32, gg_ref.shape, 0)
            == lax.broadcasted_iota(jnp.int32, gg_ref.shape, 1))
    g = jnp.sum(jnp.where(diag, gg_ref[...], 0.0), axis=0, keepdims=True)
    t = jnp.sum(jnp.where(diag, gt_ref[...], 0.0), axis=0, keepdims=True)
    out_ref[...] = jnp.log(s - jnp.exp(t) + jnp.exp(g)) - g


def kernel(new_logits, target_logits, label):
    B, C = target_logits.shape
    label = label.astype(jnp.int32)
    gg, gt = _sc_gather_rows(new_logits.T, target_logits.T, label)

    s = _make_sumexp(B, C)(target_logits.T)

    out = pl.pallas_call(
        _fix_body,
        out_shape=jax.ShapeDtypeStruct((1, B), jnp.float32),
    )(s, gg, gt)
    return out.reshape(B)

# --- scband reference (transcript-rebuilt; emitter-appended) ---
"""Pipeline reference for scband-retentive-cross-entropy-loss-90640989814992 (READ-ONLY COPY).

The authoritative reference and input builder live on the scoring server;
editing this copy changes nothing except your own understanding.
"""

import jax, jax.numpy as jnp
import numpy as np

B = 128
C = 100000

def setup_inputs(seed: int = 0) -> dict:
    key = jax.random.key(seed)
    k1, k2, k3 = jax.random.split(key, 3)
    new_logits = jax.random.normal(k1, (B, C), dtype=jnp.float32)
    target_logits = jax.random.normal(k2, (B, C), dtype=jnp.float32)
    label = jax.random.randint(k3, (B,), 0, C, dtype=jnp.int64 if jax.config.read('jax_enable_x64') else jnp.int32)
    return {"new_logits": new_logits, "target_logits": target_logits, "label": label}

def reference(new_logits, target_logits, label):
    # combined_logits: copy of target_logits with the label-column entry replaced
    # by the corresponding new_logits entry (per row).
    rows = jnp.arange(new_logits.shape[0])
    gathered_new = new_logits[rows, label]          # gather (SparseCore-friendly)
    combined = target_logits.at[rows, label].set(gathered_new)  # scatter-overwrite
    # cross_entropy with reduction='none' (two_heads=False)
    lse = jax.nn.logsumexp(combined, axis=1)
    picked = combined[rows, label]
    loss = lse - picked
    return loss

if __name__ == "__main__":
    import jax
    _d = setup_inputs()
    print(jax.jit(kernel)(*tuple(_d.values())))

</pallas_src>

<mosaic_0001>
#map = affine_map<(d0, d1) -> (0, 0)>
#map1 = affine_map<(d0, d1) -> (0)>
module attributes {stable_mosaic.version = 14 : i64} {
  func.func @gather_k(%arg0: i32, %arg1: i32, %arg2: memref<100000x128xf32, #tpu.memory_space<hbm>>, %arg3: memref<100000x128xf32, #tpu.memory_space<hbm>>, %arg4: memref<128xi32, #tpu.memory_space<hbm>>, %arg5: memref<128x128xf32, #tpu.memory_space<hbm>>, %arg6: memref<128x128xf32, #tpu.memory_space<hbm>>, %arg7: memref<8xi32, #tpu.memory_space<vmem>>, %arg8: memref<8x128xf32, #tpu.memory_space<vmem>>, %arg9: memref<8x128xf32, #tpu.memory_space<vmem>>, %arg10: memref<!tpu.dma_semaphore, #tpu.memory_space<semaphore_mem>>) attributes {dimension_semantics = [#tpu.dimension_semantics<core_parallel>, #tpu.dimension_semantics<subcore_parallel>], iteration_bounds = array<i64: 2, 16>, scalar_prefetch = 0 : i64, scratch_operands = 4 : i64, tpu.core_type = #tpu.core_type<sc_vector_subcore>, window_params = [{transform_indices = #map}, {transform_indices = #map}, {transform_indices = #map1}, {transform_indices = #map}, {transform_indices = #map}]} {
    %mul3A = arith.constant 2 : i32
    %mul3A_0 = arith.muli %arg1, %mul3A : i32
    %add3A = arith.addi %mul3A_0, %arg0 : i32
    %lt3A = arith.constant 16 : i32
    %lt3A_1 = arith.cmpi slt, %add3A, %lt3A : i32
    %convert_element_type3A = arith.extui %lt3A_1 : i1 to i32
    %cond3A = arith.constant 0 : i32
    %cond3A_2 = arith.cmpi ne, %convert_element_type3A, %cond3A : i32
    scf.if %cond3A_2 {
      %mul3A_3 = arith.constant 8 : i32
      %mul3A_4 = arith.muli %add3A, %mul3A_3 : i32
      "tpu.region"() ({
        %run_scoped3A = tpu.sem_alloc : memref<!tpu.dma_semaphore, #tpu.memory_space<semaphore_mem>>
        %dma_start3A_15 = tpu.memref_slice %arg4[%mul3A_4] : memref<128xi32, #tpu.memory_space<hbm>> -> memref<8xi32, #tpu.memory_space<hbm>>
        %dma_start3A_16 = tpu.memref_slice %arg4[%mul3A_4] : memref<128xi32, #tpu.memory_space<hbm>> -> memref<8xi32, #tpu.memory_space<hbm>>
        tpu.enqueue_dma source(%dma_start3A_16 : memref<8xi32, #tpu.memory_space<hbm>>) target(%arg7 : memref<8xi32, #tpu.memory_space<vmem>>) target_semaphore(%run_scoped3A : memref<!tpu.dma_semaphore, #tpu.memory_space<semaphore_mem>>)
        %dma_wait3A_17 = tpu.memref_slice %arg4[%mul3A_4] : memref<128xi32, #tpu.memory_space<hbm>> -> memref<8xi32, #tpu.memory_space<hbm>>
        %dma_wait3A_18 = tpu.memref_slice %arg4[%mul3A_4] : memref<128xi32, #tpu.memory_space<hbm>> -> memref<8xi32, #tpu.memory_space<hbm>>
        tpu.wait_dma2 semaphore(%run_scoped3A : memref<!tpu.dma_semaphore, #tpu.memory_space<semaphore_mem>>) src(%dma_wait3A_18 : memref<8xi32, #tpu.memory_space<hbm>>) dst(%arg7 : memref<8xi32, #tpu.memory_space<vmem>>)
        tpu.yield
      }) : () -> ()
      %dma_start3A = arith.constant 0 : i32
      %dma_start3A_5 = arith.constant 0 : i32
      %dma_start3A_6 = tpu.memref_slice %arg2[%dma_start3A, %dma_start3A_5] : memref<100000x128xf32, #tpu.memory_space<hbm>> -> memref<100000x128xf32, #tpu.memory_space<hbm>>
      tpu.enqueue_indirect_dma source(%dma_start3A_6 : memref<100000x128xf32, #tpu.memory_space<hbm>>) target(%arg8 : memref<8x128xf32, #tpu.memory_space<vmem>>) offsets(%arg7 : memref<8xi32, #tpu.memory_space<vmem>>) semaphore(%arg10 : memref<!tpu.dma_semaphore, #tpu.memory_space<semaphore_mem>>)
      %dma_start3A_7 = arith.constant 0 : i32
      %dma_start3A_8 = arith.constant 0 : i32
      %dma_start3A_9 = tpu.memref_slice %arg3[%dma_start3A_7, %dma_start3A_8] : memref<100000x128xf32, #tpu.memory_space<hbm>> -> memref<100000x128xf32, #tpu.memory_space<hbm>>
      tpu.enqueue_indirect_dma source(%dma_start3A_9 : memref<100000x128xf32, #tpu.memory_space<hbm>>) target(%arg9 : memref<8x128xf32, #tpu.memory_space<vmem>>) offsets(%arg7 : memref<8xi32, #tpu.memory_space<vmem>>) semaphore(%arg10 : memref<!tpu.dma_semaphore, #tpu.memory_space<semaphore_mem>>)
      %dma_wait3A = arith.constant 0 : i32
      %dma_wait3A_10 = arith.constant 0 : i32
      %dma_wait3A_11 = tpu.memref_slice %arg2[%dma_wait3A, %dma_wait3A_10] : memref<100000x128xf32, #tpu.memory_space<hbm>> -> memref<100000x128xf32, #tpu.memory_space<hbm>>
      tpu.wait_indirect_dma semaphore(%arg10 : memref<!tpu.dma_semaphore, #tpu.memory_space<semaphore_mem>>) src(%dma_wait3A_11 : memref<100000x128xf32, #tpu.memory_space<hbm>>) dst(%arg8 : memref<8x128xf32, #tpu.memory_space<vmem>>)
      %dma_wait3A_12 = arith.constant 0 : i32
      %dma_wait3A_13 = arith.constant 0 : i32
      %dma_wait3A_14 = tpu.memref_slice %arg3[%dma_wait3A_12, %dma_wait3A_13] : memref<100000x128xf32, #tpu.memory_space<hbm>> -> memref<100000x128xf32, #tpu.memory_space<hbm>>
      tpu.wait_indirect_dma semaphore(%arg10 : memref<!tpu.dma_semaphore, #tpu.memory_space<semaphore_mem>>) src(%dma_wait3A_14 : memref<100000x128xf32, #tpu.memory_space<hbm>>) dst(%arg9 : memref<8x128xf32, #tpu.memory_space<vmem>>)
      "tpu.region"() ({
        %run_scoped3A = tpu.sem_alloc : memref<!tpu.dma_semaphore, #tpu.memory_space<semaphore_mem>>
        %dma_start3A_15 = arith.constant 0 : i32
        %dma_start3A_16 = tpu.memref_slice %arg5[%mul3A_4, %dma_start3A_15] : memref<128x128xf32, #tpu.memory_space<hbm>> -> memref<8x128xf32, #tpu.memory_space<hbm>>
        %dma_start3A_17 = arith.constant 0 : i32
        %dma_start3A_18 = tpu.memref_slice %arg5[%mul3A_4, %dma_start3A_17] : memref<128x128xf32, #tpu.memory_space<hbm>> -> memref<8x128xf32, #tpu.memory_space<hbm>>
        tpu.enqueue_dma source(%arg8 : memref<8x128xf32, #tpu.memory_space<vmem>>) target(%dma_start3A_18 : memref<8x128xf32, #tpu.memory_space<hbm>>) target_semaphore(%run_scoped3A : memref<!tpu.dma_semaphore, #tpu.memory_space<semaphore_mem>>)
        %dma_wait3A_19 = arith.constant 0 : i32
        %dma_wait3A_20 = tpu.memref_slice %arg5[%mul3A_4, %dma_wait3A_19] : memref<128x128xf32, #tpu.memory_space<hbm>> -> memref<8x128xf32, #tpu.memory_space<hbm>>
        %dma_wait3A_21 = arith.constant 0 : i32
        %dma_wait3A_22 = tpu.memref_slice %arg5[%mul3A_4, %dma_wait3A_21] : memref<128x128xf32, #tpu.memory_space<hbm>> -> memref<8x128xf32, #tpu.memory_space<hbm>>
        tpu.wait_dma2 semaphore(%run_scoped3A : memref<!tpu.dma_semaphore, #tpu.memory_space<semaphore_mem>>) src(%arg8 : memref<8x128xf32, #tpu.memory_space<vmem>>) dst(%dma_wait3A_22 : memref<8x128xf32, #tpu.memory_space<hbm>>)
        tpu.yield
      }) : () -> ()
      "tpu.region"() ({
        %run_scoped3A = tpu.sem_alloc : memref<!tpu.dma_semaphore, #tpu.memory_space<semaphore_mem>>
        %dma_start3A_15 = arith.constant 0 : i32
        %dma_start3A_16 = tpu.memref_slice %arg6[%mul3A_4, %dma_start3A_15] : memref<128x128xf32, #tpu.memory_space<hbm>> -> memref<8x128xf32, #tpu.memory_space<hbm>>
        %dma_start3A_17 = arith.constant 0 : i32
        %dma_start3A_18 = tpu.memref_slice %arg6[%mul3A_4, %dma_start3A_17] : memref<128x128xf32, #tpu.memory_space<hbm>> -> memref<8x128xf32, #tpu.memory_space<hbm>>
        tpu.enqueue_dma source(%arg9 : memref<8x128xf32, #tpu.memory_space<vmem>>) target(%dma_start3A_18 : memref<8x128xf32, #tpu.memory_space<hbm>>) target_semaphore(%run_scoped3A : memref<!tpu.dma_semaphore, #tpu.memory_space<semaphore_mem>>)
        %dma_wait3A_19 = arith.constant 0 : i32
        %dma_wait3A_20 = tpu.memref_slice %arg6[%mul3A_4, %dma_wait3A_19] : memref<128x128xf32, #tpu.memory_space<hbm>> -> memref<8x128xf32, #tpu.memory_space<hbm>>
        %dma_wait3A_21 = arith.constant 0 : i32
        %dma_wait3A_22 = tpu.memref_slice %arg6[%mul3A_4, %dma_wait3A_21] : memref<128x128xf32, #tpu.memory_space<hbm>> -> memref<8x128xf32, #tpu.memory_space<hbm>>
        tpu.wait_dma2 semaphore(%run_scoped3A : memref<!tpu.dma_semaphore, #tpu.memory_space<semaphore_mem>>) src(%arg9 : memref<8x128xf32, #tpu.memory_space<vmem>>) dst(%dma_wait3A_22 : memref<8x128xf32, #tpu.memory_space<hbm>>)
        tpu.yield
      }) : () -> ()
    } else {
    }
    return
  }
}

module attributes {stable_mosaic.version = 14 : i64} {
  func.func @_fix_body(%arg0: memref<1x128xf32, #tpu.memory_space<vmem>>, %arg1: memref<128x128xf32, #tpu.memory_space<vmem>>, %arg2: memref<128x128xf32, #tpu.memory_space<vmem>>, %arg3: memref<1x128xf32, #tpu.memory_space<vmem>>) attributes {dimension_semantics = [], scalar_prefetch = 0 : i64, scratch_operands = 0 : i64, tpu.core_type = #tpu.core_type<tc>} {
    %get3A = arith.constant 0 : index
    %get3A_0 = arith.constant 0 : index
    %get3A_1 = vector.load %arg0[%get3A, %get3A_0] : memref<1x128xf32, #tpu.memory_space<vmem>>, vector<1x128xf32>
    %iota3A = tpu.iota {dimensions = array<i32: 0>} : vector<128x128xi32>
    %iota3A_2 = tpu.iota {dimensions = array<i32: 1>} : vector<128x128xi32>
    %eq3A = arith.cmpi eq, %iota3A, %iota3A_2 : vector<128x128xi32>
    %get3A_3 = arith.constant 0 : index
    %get3A_4 = arith.constant 0 : index
    %get3A_5 = vector.load %arg1[%get3A_3, %get3A_4] : memref<128x128xf32, #tpu.memory_space<vmem>>, vector<128x128xf32>
    %jit3A = arith.constant 0.000000e+00 : f32
    %broadcast_in_dim3A = vector.broadcast %jit3A : f32 to vector<128x128xf32>
    %select_n3A = arith.select %eq3A, %get3A_5, %broadcast_in_dim3A : vector<128x128xi1>, vector<128x128xf32>
    %reduce_sum3A = arith.constant dense<0.000000e+00> : vector<128xf32>
    %reduce_sum3A_6 = vector.multi_reduction <add>, %select_n3A, %reduce_sum3A [0] : vector<128x128xf32> to vector<128xf32>
    %broadcast_in_dim3A_7 = vector.shape_cast %reduce_sum3A_6 : vector<128xf32> to vector<1x128xf32>
    %get3A_8 = arith.constant 0 : index
    %get3A_9 = arith.constant 0 : index
    %get3A_10 = vector.load %arg2[%get3A_8, %get3A_9] : memref<128x128xf32, #tpu.memory_space<vmem>>, vector<128x128xf32>
    %jit3A_11 = arith.constant 0.000000e+00 : f32
    %broadcast_in_dim3A_12 = vector.broadcast %jit3A_11 : f32 to vector<128x128xf32>
    %select_n3A_13 = arith.select %eq3A, %get3A_10, %broadcast_in_dim3A_12 : vector<128x128xi1>, vector<128x128xf32>
    %reduce_sum3A_14 = arith.constant dense<0.000000e+00> : vector<128xf32>
    %reduce_sum3A_15 = vector.multi_reduction <add>, %select_n3A_13, %reduce_sum3A_14 [0] : vector<128x128xf32> to vector<128xf32>
    %broadcast_in_dim3A_16 = vector.shape_cast %reduce_sum3A_15 : vector<128xf32> to vector<1x128xf32>
    %exp3A = math.exp %broadcast_in_dim3A_16 : vector<1x128xf32>
    %sub3A = arith.subf %get3A_1, %exp3A : vector<1x128xf32>
    %exp3A_17 = math.exp %broadcast_in_dim3A_7 : vector<1x128xf32>
    %add3A = arith.addf %sub3A, %exp3A_17 : vector<1x128xf32>
    %log3A = math.log %add3A : vector<1x128xf32>
    %sub3A_18 = arith.subf %log3A, %broadcast_in_dim3A_7 : vector<1x128xf32>
    %swap3A = arith.constant 0 : index
    %swap3A_19 = arith.constant 0 : index
    %swap3A_20 = vector.load %arg3[%swap3A, %swap3A_19] : memref<1x128xf32, #tpu.memory_space<vmem>>, vector<1x128xf32>
    tpu.vector_store %arg3[%swap3A, %swap3A_19], %sub3A_18 {strides = array<i32>} : memref<1x128xf32, #tpu.memory_space<vmem>>, vector<1x128xf32>,
    return
  }
}

module attributes {stable_mosaic.version = 14 : i64} {
  func.func @body(%arg0: i32, %arg1: memref<10000x128xf32, #tpu.memory_space<vmem>>, %arg2: memref<1x128xf32, #tpu.memory_space<vmem>>, %arg3: memref<1x128xf32, #tpu.memory_space<vmem>>) attributes {dimension_semantics = [#tpu.dimension_semantics<arbitrary>], iteration_bounds = array<i64: 10>, scalar_prefetch = 0 : i64, scratch_operands = 1 : i64, tpu.core_type = #tpu.core_type<tc>, window_params = [{transform_indices = @transform_0, window_bounds = array<i64: 10000, 128>}, {pipeline_mode = #tpu.pipeline_mode<synchronous>, transform_indices = @transform_1, window_bounds = array<i64: 1, 128>}]} {
    %get3A = arith.constant 0 : index
    %get3A_0 = arith.constant 0 : index
    %get3A_1 = vector.load %arg1[%get3A, %get3A_0] : memref<10000x128xf32, #tpu.memory_space<vmem>>, vector<10000x128xf32>
    %exp3A = math.exp %get3A_1 : vector<10000x128xf32>
    %reduce_sum3A = arith.constant dense<0.000000e+00> : vector<128xf32>
    %reduce_sum3A_2 = vector.multi_reduction <add>, %exp3A, %reduce_sum3A [0] : vector<10000x128xf32> to vector<128xf32>
    %broadcast_in_dim3A = vector.shape_cast %reduce_sum3A_2 : vector<128xf32> to vector<1x128xf32>
    %eq3A = arith.constant 0 : i32
    %eq3A_3 = arith.cmpi eq, %arg0, %eq3A : i32
    %convert_element_type3A = arith.extui %eq3A_3 : i1 to i32
    %cond3A = arith.constant 0 : i32
    %cond3A_4 = arith.cmpi ne, %convert_element_type3A, %cond3A : i32
    scf.if %cond3A_4 {
      %swap3A = arith.constant 0 : index
      %swap3A_14 = arith.constant 0 : index
      %swap3A_15 = vector.load %arg3[%swap3A, %swap3A_14] : memref<1x128xf32, #tpu.memory_space<vmem>>, vector<1x128xf32>
      tpu.vector_store %arg3[%swap3A, %swap3A_14], %broadcast_in_dim3A {strides = array<i32>} : memref<1x128xf32, #tpu.memory_space<vmem>>, vector<1x128xf32>,
    } else {
    }
    %gt3A = arith.constant 0 : i32
    %gt3A_5 = arith.cmpi sgt, %arg0, %gt3A : i32
    %convert_element_type3A_6 = arith.extui %gt3A_5 : i1 to i32
    %cond3A_7 = arith.constant 0 : i32
    %cond3A_8 = arith.cmpi ne, %convert_element_type3A_6, %cond3A_7 : i32
    scf.if %cond3A_8 {
      %get3A_14 = arith.constant 0 : index
      %get3A_15 = arith.constant 0 : index
      %get3A_16 = vector.load %arg3[%get3A_14, %get3A_15] : memref<1x128xf32, #tpu.memory_space<vmem>>, vector<1x128xf32>
      %add3A = arith.addf %get3A_16, %broadcast_in_dim3A : vector<1x128xf32>
      %swap3A = arith.constant 0 : index
      %swap3A_17 = arith.constant 0 : index
      %swap3A_18 = vector.load %arg3[%swap3A, %swap3A_17] : memref<1x128xf32, #tpu.memory_space<vmem>>, vector<1x128xf32>
      tpu.vector_store %arg3[%swap3A, %swap3A_17], %add3A {strides = array<i32>} : memref<1x128xf32, #tpu.memory_space<vmem>>, vector<1x128xf32>,
    } else {
    }
    %eq3A_9 = arith.constant 9 : i32
    %eq3A_10 = arith.cmpi eq, %arg0, %eq3A_9 : i32
    %convert_element_type3A_11 = arith.extui %eq3A_10 : i1 to i32
    %cond3A_12 = arith.constant 0 : i32
    %cond3A_13 = arith.cmpi ne, %convert_element_type3A_11, %cond3A_12 : i32
    scf.if %cond3A_13 {
      %get3A_14 = arith.constant 0 : index
      %get3A_15 = arith.constant 0 : index
      %get3A_16 = vector.load %arg3[%get3A_14, %get3A_15] : memref<1x128xf32, #tpu.memory_space<vmem>>, vector<1x128xf32>
      %swap3A = arith.constant 0 : index
      %swap3A_17 = arith.constant 0 : index
      %swap3A_18 = vector.load %arg2[%swap3A, %swap3A_17] : memref<1x128xf32, #tpu.memory_space<vmem>>, vector<1x128xf32>
      tpu.vector_store %arg2[%swap3A, %swap3A_17], %get3A_16 {strides = array<i32>} : memref<1x128xf32, #tpu.memory_space<vmem>>, vector<1x128xf32>,
    } else {
    }
    return
  }
  func.func @transform_0(%arg0: i32) -> (i32, i32) {
    %c0_i32 = arith.constant 0 : i32
    %c0_i32_0 = arith.constant 0 : i32
    return %arg0, %c0_i32 : i32, i32
  }
  func.func @transform_1(%arg0: i32) -> (i32, i32) {
    %c0_i32 = arith.constant 0 : i32
    %c0_i32_0 = arith.constant 0 : i32
    %c0_i32_1 = arith.constant 0 : i32
    return %c0_i32, %c0_i32_0 : i32, i32
  }
}

</mosaic_0001>

<sc_bundles>
// kernel: kernel.5.cloned.1.call-start
scs
__scs_entry_jumppad:
0x0: {  	(pc) =	sbr.rel $0x88, $3  }
0x1: {  	(tag) =	ssettag $0x0;
	lr =	simm.s32 $0x1  }
0x2: {  	[smem:$0x3F9E] =	sst lr;
	_ =	strace $0xD0000000  }
0x3: {  	_ = 	snop  }
0x4: {  	_ = 	snop  }
0x5: {  	_ = 	snop  }
0x6: {  	_ = 	snop  }
0x7: {  	_ = 	snop  }
__scs_overlays_trampoline_lowered:
0x8: {  	[smem:$0x3FAD] =	sst s0  }
0x9: {  	[smem:$0x3FAE] =	sst s1  }
0xa: {  	[smem:$0x3FAF] =	sst s2  }
0xb: {  	[smem:$0x3FB0] =	sst s3  }
0xc: {  	[smem:$0x3FB1] =	sst s4  }
0xd: {  	[smem:$0x3FB2] =	sst s5  }
0xe: {  	[smem:$0x3FB3] =	sst s6  }
0xf: {  	[smem:$0x3FB4] =	sst s7  }
0x10: {  	[smem:$0x3FB5] =	sst s8  }
0x11: {  	[smem:$0x3FB6] =	sst s9;
	s0 =	simm.s32 @!p0 $0x0  }
0x12: {  	s1 =	sld [smem:$0x3F9C];
	s0 =	simm.s32 @p0 $0x1  }
0x13: {  	[smem:$0x3FB7] =	sst s0;
	s0 =	simm.s32 @!p1 $0x0  }
0x14: {  	s2 =	sld [smem:$0x3F9B];
	s0 =	simm.s32 @p1 $0x1  }
0x15: {  	[smem:$0x3FB8] =	sst s0;
	s0 =	simm.s32 @!p2 $0x0  }
0x16: {  	s3 =	sld [smem:$0x3FDB];
	s0 =	simm.s32 @p2 $0x1  }
0x17: {  	s4 =	simm.s32 $0x1BF5;
	[smem:$0x3FBA] =	sst s0  }
0x18: {  	s0 =	sld [smem:$0x3F9D];
	_ =	swait.ge [sflag:s4], $0x0  }
0x19: {  	s7 =	sld [smem:$0x3F9E]  }
0x1a: {  	s8 =	sadd.s32 $0xFFFFE003, lr  }
0x1b: {  	s9 =	sadd.s32 $0xFFFFFEF7, lr;
	s5 =	simm.s32 $0xFFFFFFFF;
	p2 =	slt.u32 s8, $0xFFFFF086  }
0x1c: {  	p1 =	slt.u32 s9, $0xF7A;
	s5 =	simm.s32 @!p2 $0x0  }
0x1d: {  	s5 =	simm.s32 @p1 $0x1;
	p0 =	seq.s32 s7, s2  }
0x1e: {  	s7 =	smul.u32 @!p0 $0xF7A, s2;
	p2 =	seq.s32 @!p0 s5, $0x0  }
0x1f: {  	s9 =	smul.u32 $0xF7A, s1;
	s8 =	simm.s32 @!p0 $0x1BF5;
	p2 =	por !p2, p0  }
0x20: {  	[sflag:s8] =	ssyncset.s32 @!p0 $0xFFFFF086;
	s6 =	sadd.s32 @!p0 s3, s7;
	s7 =	simm.s32 @!p0 $0x108  }
0x21: {  	s3 =	sadd.s32 s3, s9;
	s6 =	sadd.s32 @!p0 $0x88, s6;
	s7 =	simm.s32 @p2 $0x1082  }
0x22: {  	[simem:s7], [sflag:s8] =	dma.local @!p0 [hbm:s6], $0xF7A  }
0x23: {  	s9 =	sor.u32 $0xD0000000, s2;
	s6 =	simm.s32 $0x108;
	_ =	swait.ge @!p0 [sflag:s8], $0x0  }
0x24: {  	s3 =	sadd.s32 $0x88, s3;
	s6 =	simm.s32 @!p1 $0x1082;
	[sflag:s4] =	ssyncset.s32 $0xFFFFF086  }
0x25: {  	[simem:s6], [sflag:s4] =	dma.local [hbm:s3], $0xF7A  }
0x26: {  	[smem:$0x3F9E] =	sst s1;
	(tag) =	ssettag s2;
	_ =	strace s9  }
0x27: {  	s1 =	sld [smem:$0x3FAE]  }
0x28: {  	s2 =	sld [smem:$0x3FAF]  }
0x29: {  	s4 =	sld [smem:$0x3FB1]  }
0x2a: {  	p0 =	seq.s32 s5, $0x0;
	s5 =	sld [smem:$0x3FB2]  }
0x2b: {  	s6 =	sld [smem:$0x3FB3]  }
0x2c: {  	s7 =	sld [smem:$0x3FB4]  }
0x2d: {  	s3 =	simm.s32 $0x108;
	s8 =	sld [smem:$0x3FB5]  }
0x2e: {  	s3 =	simm.s32 @!p0 $0x1082;
	s9 =	sld [smem:$0x3FB6]  }
0x2f: {  	lr =	sadd.s32 s0, s3;
	s0 =	sld [smem:$0x3FAD]  }
0x30: {  	s3 =	sld [smem:$0x3FB0]  }
0x31: {  	[smem:$0x3FB9] =	sst s10  }
0x32: {  	s10 =	sld [smem:$0x3FB7];
	_ =	sdelay $0x3  }
0x33: {  	p0 =	seq.s32 s10, $0x1;
	s10 =	sld [smem:$0x3FB9];
	_ =	sdelay $0x3  }
0x34: {  	[smem:$0x3FB9] =	sst s10  }
0x35: {  	s10 =	sld [smem:$0x3FB8];
	_ =	sdelay $0x3  }
0x36: {  	p1 =	seq.s32 s10, $0x1;
	s10 =	sld [smem:$0x3FB9];
	_ =	sdelay $0x3  }
0x37: {  	[smem:$0x3FB9] =	sst s10  }
0x38: {  	s10 =	sld [smem:$0x3FBA]  }
0x39: {  	_ = 	snop;
	(pc) =	sbr.ind lr, $3  }
0x3a: {  	_ = 	snop  }
0x3b: {  	_ = 	snop  }
0x3c: {  	p2 =	seq.s32 s10, $0x1;
	s10 =	sld [smem:$0x3FB9]  }
0x3d: {  	_ =	shalt  }
0x3e: {  	_ =	shalt  }
0x3f: {  	_ =	shalt  }
0x40: {  	_ =	shalt  }
0x41: {  	_ =	shalt  }
0x42: {  	_ =	shalt  }
0x43: {  	_ =	shalt  }
0x44: {  	_ =	shalt  }
0x45: {  	_ =	shalt  }
0x46: {  	_ =	shalt  }
0x47: {  	_ =	shalt  }
0x48: {  	_ =	shalt  }
0x49: {  	_ =	shalt  }
0x4a: {  	_ =	shalt  }
0x4b: {  	_ =	shalt  }
0x4c: {  	_ =	shalt  }
0x4d: {  	_ =	shalt  }
0x4e: {  	_ =	shalt  }
0x4f: {  	_ =	shalt  }
0x50: {  	_ =	shalt  }
0x51: {  	_ =	shalt  }
0x52: {  	_ =	shalt  }
0x53: {  	_ =	shalt  }
0x54: {  	_ =	shalt  }
0x55: {  	_ =	shalt  }
0x56: {  	_ =	shalt  }
0x57: {  	_ =	shalt  }
0x58: {  	_ =	shalt  }
0x59: {  	_ =	shalt  }
0x5a: {  	_ =	shalt  }
0x5b: {  	_ =	shalt  }
0x5c: {  	_ =	shalt  }
0x5d: {  	_ =	shalt  }
0x5e: {  	_ =	shalt  }
0x5f: {  	_ =	shalt  }
0x60: {  	_ =	shalt  }
0x61: {  	_ =	shalt  }
0x62: {  	_ =	shalt  }
0x63: {  	_ =	shalt  }
0x64: {  	_ =	shalt  }
0x65: {  	_ =	shalt  }
0x66: {  	_ =	shalt  }
0x67: {  	_ =	shalt  }
0x68: {  	_ =	shalt  }
0x69: {  	_ =	shalt  }
0x6a: {  	_ =	shalt  }
0x6b: {  	_ =	shalt  }
0x6c: {  	_ =	shalt  }
0x6d: {  	_ =	shalt  }
0x6e: {  	_ =	shalt  }
0x6f: {  	_ =	shalt  }
0x70: {  	_ =	shalt  }
0x71: {  	_ =	shalt  }
0x72: {  	_ =	shalt  }
0x73: {  	_ =	shalt  }
0x74: {  	_ =	shalt  }
0x75: {  	_ =	shalt  }
0x76: {  	_ =	shalt  }
0x77: {  	_ =	shalt  }
0x78: {  	_ =	shalt  }
0x79: {  	_ =	shalt  }
0x7a: {  	_ =	shalt  }
0x7b: {  	_ =	shalt  }
0x7c: {  	_ =	shalt  }
0x7d: {  	_ =	shalt  }
0x7e: {  	_ =	shalt  }
0x7f: {  	_ =	shalt  }
0x80: {  	_ =	shalt  }
0x81: {  	_ =	shalt  }
0x82: {  	_ =	shalt  }
0x83: {  	_ =	shalt  }
0x84: {  	_ =	shalt  }
0x85: {  	_ =	shalt  }
0x86: {  	_ =	shalt  }
0x87: {  	_ =	shalt  }
.Lfunc_end0:
.L_simem_size_0:
called_computation_lowered:
.L_overlay_start_0:
0x88: {  	s2 =	sld [smem:$0x3FD9]  }
0x89: {  	s3 =	sld [smem:$0x3FFE];
	_ =	sdelay $0x1  }
0x8a: {  	s1 =	srdreg.scid  }
0x8b: {  	s0 =	sand.u32 $0x1, s1  }
0x8c: {  	s17 =	sshll.u32 s0, $0xA;
	s2 =	sadd.s32 s3, s2  }
0x8d: {  	s2 =	sadd.s32 s2, s17  }
0x8e: {  	[smem:$0x3FC5] =	sst s2  }
0x8f: {  	_ = 	snop  }
0x90: {  	s2 =	sld [smem:$0x3FC9]  }
0x91: {  	s18 =	sld [smem:$0x3FC8]  }
0x92: {  	s4 =	sld [smem:$0x3FC7];
	(tm) =	ssettm $0x1  }
0x93: {  	s5 =	sld [smem:$0x3FFB];
	_ =	sdelay $0x3  }
0x94: {  	_ =	strace s5  }
0x95: {  	s5 =	sld [smem:$0x3FFC];
	_ =	sdelay $0x3  }
0x96: {  	_ =	strace s5  }
0x97: {  	s5 =	sld [smem:$0x3FFD];
	_ =	sdelay $0x3  }
0x98: {  	_ =	strace s5  }
0x99: {  	_ =	strace $0x8FFFFFFF  }
0x9a: {  	s19 =	sld [smem:$0x3FDB];
	_ =	sdelay $0x1  }
0x9b: {  	s6 =	simm.s32 $_scs_section_size  }
0x9c: {  	s7 =	simm.s32 $_size__tile_overlayer_lowered;
	s8 =	simm.s32 $_tile_overlayer_lowered  }
0x9d: {  	s22 =	simm.s32 $0x1BFF;
	s21 =	sshll.u32 s8, $0x1;
	s5 =	sadd.s32 s6, s19  }
0x9e: {  	s9 =	simm.s32 $0x0;
	s20 =	sshll.u32 s7, $0x1;
	s7 =	sadd.s32 s21, s5  }
0x9f: {  	[timem:s9], [sflag:s22] =	dma.local [hbm:s7], s20  }
0xa0: {  	_ =	swait.ge [sflag:s22], s20  }
0xa1: {  	s6 =	ssub.s32 $0x0, s20;
	[sflag:s22] =	ssyncset.done $0x0  }
0xa2: {  	[sflag:s22] =	ssyncadd.s32 s6;
	_ =	sdelay $0x1  }
0xa3: {  	s23 =	simm.s32 $0x1B8B  }
0xa4: {  	_ =	swait.ge [sflag:s23], $0x1  }
0xa5: {  	[sflag:s23] =	ssyncset.done $0x0  }
0xa6: {  	s25 =	simm.s32 $0x1B8E;
	s24 =	sld [smem:$0x3FFE];
	[sflag:s23] =	ssyncadd.s32 $0xFFFFFFFF  }
0xa7: {  	s26 =	simm.s32 $execute0_lowered;
	[smem:$0x3FD2] =	sst s25  }
0xa8: {  	s7 =	sshll.u32 s26, $0x1;
	_ =	strace $0x80000046;
	[dreg:$0x1] =	wrdreg $0xFFFFFFFF  }
0xa9: {  	s28 =	simm.s32 $_size_execute0_lowered;
	s5 =	sadd.s32 s5, s7;
	[dreg:$0x0] =	wrdreg $0x0  }
0xaa: {  	s7 =	sshll.u32 s28, $0x1;
	[dreg:$0x2] =	wrdreg s5  }
0xab: {  	[dreg:$0x3] =	wrdreg s7  }
0xac: {  	[dreg:$0x4] =	wrdreg $0xC0  }
0xad: {  	_ =	task [dreg:s9], $0x5FFFF  }
0xae: {  	[dreg:$0x1] =	wrdreg $0xFFFFFFFF  }
0xaf: {  	[dreg:$0x0] =	wrdreg $0x60  }
0xb0: {  	[dreg:$0x2] =	wrdreg s2  }
0xb1: {  	[dreg:$0x3] =	wrdreg s18  }
0xb2: {  	[dreg:$0x4] =	wrdreg s4  }
0xb3: {  	[dreg:$0x5] =	wrdreg s24  }
0xb4: {  	[dreg:$0x6] =	wrdreg $0x9  }
0xb5: {  	_ =	task.clear_ibuf [dreg:s9], $0x7FFFF;
	_ =	strace $0x90000046  }
0xb6: {  	s29 =	simm.s32 $0x9;
	_ =	strace $0x80000048  }
0xb7: {  	_ =	swait.ge [sflag:s29], $0x1  }
0xb8: {  	[sflag:s29] =	ssyncadd.s32 $0xFFFFFFFF  }
0xb9: {  	_ =	strace $0x90000048  }
0xba: {  	_ =	sfence  }
0xbb: {  	s30 =	sld [smem:$0x0];
	_ =	sdelay $0x2  }
0xbc: {  	s31 =	sshll.u32 s1, $0xD;
	s1 =	sshrl.u32 s1, $0x2  }
0xbd: {  	s3 =	sand.u32 $0x4000, s31;
	s1 =	sadd.s32 s1, s30  }
0xbe: {  	s0 =	sor.u32 s3, s0;
	s1 =	sshll.u32 s1, $0x11  }
0xbf: {  	s0 =	sor.u32 s1, s0  }
0xc0: {  	s0 =	sadd.s32 $0x8F2B, s0  }
0xc1: {  	[sflag:s0] =	ssyncadd.remote.s32 $0x1  }
0xc2: {  	_ =	sfence.sel $0xFFFF  }
0xc3: {  	[dreg:$0x0] =	wrdreg $0xFFFFFFFF;
	(pc) =	sbr.abs _section_cstart, $3  }
0xc4: {  	[dreg:$0x1] =	wrdreg $0xFFFFFFFF  }
0xc5: {  	_ =	task.clear_ibuf [dreg:s9], $0x2FFFF;
	_ =	strace $0x9FFFFFFF  }
0xc6: {  	(tm) =	ssettm $0x7FFFFFFF  }
0xc7: {  	_ =	shalt  }
tec
execute0_lowered:
.L_overlay_start_1:
0x0: {  	(tag) =	ssettag $0x1  }
0x1: {  	s1 =	stileid.u32  }
0x2: {  	s2 =	rddreg [dreg:$0x0];
	p0 =	sgt.u32 s1, $0x7  }
.Ltmp0:
0x3: {  	s3 =	rddreg [dreg:$0x1];
	(pc) =	sbr.rel @p0 .LBB2_4-.Ltmp0, $4  }
0x4: {  	s5 =	rddreg [dreg:$0x2]  }
0x5: {  	s11 =	rddreg [dreg:$0x3];
	s4 =	simm.s32 $0x0  }
0x6: {  	[smem:$0x7FF] =	sst s4  }
0x7: {  	s0 =	rddreg [dreg:$0x4];
	_ =	strace $0x80000047  }
0x8: {  	s6 =	srdreg.scid  }
0x9: {  	s30 =	sshll.u32 s1, $0x1;
	s12 =	sand.u32 $0x1, s6  }
0xa: {  	s13 =	sor.u32 s12, s30  }
0xb: {  	s6 =	sadd.s32 s5, s13;
	s5 =	simm.s32 $0x2  }
0xc: {  	[tilespmem:s4], [sflag:$0x2] =	stream.linear.gather [hbm4b:s6+s4], $0x8, $0x38;
	[tilespmem:$0x880] =	vst v63  }
0xd: {  	_ =	swait.ge [sflag:s5], $0x8  }
0xe: {  	[sflag:s5] =	ssyncset.done $0x0  }
0xf: {  	s7 =	simm.s32 $0x8;
	s8 =	simm.s32 $0x80;
	[sflag:s5] =	ssyncadd.s32 $0xFFFFFFF8  }
0x10: {  	[tilespmem:s8], [sflag:$0x1] =	stream.indirect.gather [hbm4b:s2+s7], $0x80, s4, s7, $0xb8;
	[tilespmem:$0x880] =	vst v63  }
0x11: {  	s9 =	simm.s32 $0x480;
	s10 =	simm.s32 $0x1  }
0x12: {  	[tilespmem:s9], [sflag:$0x1] =	stream.indirect.gather [hbm4b:s3+s7], $0x80, s4, s7, $0xb8;
	[tilespmem:$0x880] =	vst v63  }
0x13: {  	_ =	swait.ge [sflag:s10], $0x400  }
0x14: {  	[sflag:s10] =	ssyncset.done $0x0  }
0x15: {  	s12 =	ssub.s32 $0x2, s12;
	[sflag:s10] =	ssyncadd.s32 $0xFFFFFC00  }
0x16: {  	s13 =	sshll.u32 s13, $0x7;
	s14 =	sshrl.u32 s12, $0x1;
	_ =	swait.ge [sflag:s10], $0x400  }
0x17: {  	s13 =	sadd.s32 s13, s11;
	s14 =	ssub.s32 s12, s14;
	[sflag:s10] =	ssyncset.done $0x0  }
0x18: {  	s11 =	sadd.s32 $0xC00, s13;
	s31 =	smax.u32 s14, $0x1;
	[sflag:s10] =	ssyncadd.s32 $0xFFFFFC00  }
0x19: {  	[hbm4b:s11+s4] =	stream.linear.scatter [tilespmem:s8], [sflag:$0x2], $0x400, $0x38;
	[tilespmem:$0x880] =	vst v63  }
0x1a: {  	p0 =	sne.s32 s31, $0x1;
	_ =	swait.ge [sflag:s5], $0x400  }
.Ltmp1:
0x1b: {  	[sflag:s5] =	ssyncset.done $0x0;
	(pc) =	sbr.rel @!p0 .LBB2_3-.Ltmp1, $4  }
0x1c: {  	s12 =	sadd.s32 $0x1400, s13;
	[sflag:s5] =	ssyncadd.s32 $0xFFFFFC00  }
0x1d: {  	[hbm4b:s12+s4] =	stream.linear.scatter [tilespmem:s9], [sflag:$0x2], $0x400, $0x38;
	[tilespmem:$0x880] =	vst v63  }
0x1e: {  	_ =	swait.ge [sflag:s5], $0x400  }
0x1f: {  	s13 =	sadd.s32 $0xFFFFFFFF, s31;
	[sflag:s5] =	ssyncset.done $0x0  }
.LBB2_2:
0x20: {  	p0 =	sne.s32 s13, $0x1;
	s13 =	sadd.s32 $0xFFFFFFFF, s13;
	[sflag:s5] =	ssyncadd.s32 $0xFFFFFC00  }
0x21: {  	[tilespmem:s4], [sflag:$0x2] =	stream.linear.gather [hbm4b:s6+s4], $0x8, $0x38;
	[tilespmem:$0x880] =	vst v63  }
0x22: {  	_ =	swait.ge [sflag:s5], $0x8  }
0x23: {  	[sflag:s5] =	ssyncset.done $0x0  }
0x24: {  	[sflag:s5] =	ssyncadd.s32 $0xFFFFFFF8  }
0x25: {  	[tilespmem:s8], [sflag:$0x1] =	stream.indirect.gather [hbm4b:s2+s7], $0x80, s4, s7, $0xb8;
	[tilespmem:$0x880] =	vst v63  }
0x26: {  	_ = 	snop  }
0x27: {  	[tilespmem:s9], [sflag:$0x1] =	stream.indirect.gather [hbm4b:s3+s7], $0x80, s4, s7, $0xb8;
	[tilespmem:$0x880] =	vst v63  }
0x28: {  	_ =	swait.ge [sflag:s10], $0x400  }
0x29: {  	[sflag:s10] =	ssyncset.done $0x0  }
0x2a: {  	[sflag:s10] =	ssyncadd.s32 $0xFFFFFC00  }
0x2b: {  	_ =	swait.ge [sflag:s10], $0x400  }
0x2c: {  	[sflag:s10] =	ssyncset.done $0x0  }
0x2d: {  	[sflag:s10] =	ssyncadd.s32 $0xFFFFFC00  }
0x2e: {  	[hbm4b:s11+s4] =	stream.linear.scatter [tilespmem:s8], [sflag:$0x2], $0x400, $0x38;
	[tilespmem:$0x880] =	vst v63  }
0x2f: {  	_ =	swait.ge [sflag:s5], $0x400  }
.Ltmp2:
0x30: {  	[sflag:s5] =	ssyncset.done $0x0;
	(pc) =	sbr.rel @p0 .LBB2_2-.Ltmp2, $4  }
0x31: {  	[sflag:s5] =	ssyncadd.s32 $0xFFFFFC00  }
0x32: {  	[hbm4b:s12+s4] =	stream.linear.scatter [tilespmem:s9], [sflag:$0x2], $0x400, $0x38;
	[tilespmem:$0x880] =	vst v63  }
0x33: {  	_ =	swait.ge [sflag:s5], $0x400  }
0x34: {  	[sflag:s5] =	ssyncset.done $0x0  }
.LBB2_3:
0x35: {  	[sflag:s5] =	ssyncadd.s32 $0xFFFFFC00  }
.LBB2_4:
0x36: {  	_ =	sfence.sel $0x180000  }
0x37: {  	[bflag:$0x0] =	sbarrier.arrive $0xFFFF  }
0x38: {  	p0 =	sne.s32 s1, $0x0;
	_ =	strace $0x90000047  }
0x39: {  	s0 =	sadd.s32 @!p0 $0x100000, s0;
	[bflag:$0x2] =	sbarrier.arrive $0xFFFF  }
0x3a: {  	[sflag:s0] =	ssyncadd.tile.s32 @!p0 $0x1;
	_ =	shalt  }
.Lfunc_end2:
_tile_overlayer_lowered:
.L_overlay_start_2:
0x3b: {  	(tag) =	ssettag $0x2  }
0x3c: {  	s0 =	rddreg [dreg:$0x0];
	s2 =	stileid.u32  }
0x3d: {  	s1 =	rddreg [dreg:$0x1];
	p0 =	sne.s32 s2, $0x0  }
0x3e: {  	s3 =	rddreg [dreg:$0x2];
	[bflag:$0x3] =	sbarrier.arrive $0xFFFF;
	s2 =	simm.s32 @!p0 $0x1C02  }
0x3f: {  	[timem:s3], [sflag:s2] =	dma.local @!p0 [hbm:s0], s1  }
0x40: {  	s0 =	simm.s32 @!p0 $0x2  }
0x41: {  	_ =	swait.ge @!p0 [sflag:s0], s1  }
0x42: {  	s1 =	ssub.s32 @!p0 $0x0, s1;
	[sflag:s0] =	ssyncset.done @!p0 $0x0  }
0x43: {  	[sflag:s0] =	ssyncadd.s32 @!p0 s1  }
0x44: {  	[bflag:$0x3] =	sbarrier.arrive $0xFFFF  }
0x45: {  	_ =	shalt  }

</sc_bundles>
